<compile_context>
chip_gen: v7x
topology: tpu7x:2x2x1
jax: 0.10.2.dev20260603
libtpu: 0.0.44.dev20260713+nightly
codegen_flags: <defaults>
</compile_context>

<pallas_src>
import jax
import jax.numpy as jnp
from jax.experimental import pallas as pl
from jax.experimental.pallas import tpu as pltpu

_H = 768
_E = 64


def _router_body(x_hbm, w1_hbm, b1_hbm, w2_hbm, b2_hbm, out_ref,
                 x_s, w1_s, b1_s, w2_s, b2_s,
                 sem0, sem1, sem2, sem3, sem4):
    cx = pltpu.make_async_copy(x_hbm.at[pl.ds(0, 1)], x_s, sem0)
    cw1 = pltpu.make_async_copy(w1_hbm, w1_s, sem1)
    cb1 = pltpu.make_async_copy(b1_hbm, b1_s, sem2)
    cw2 = pltpu.make_async_copy(w2_hbm, w2_s, sem3)
    cb2 = pltpu.make_async_copy(b2_hbm, b2_s, sem4)
    cx.start()
    cw1.start()
    cb1.start()
    cw2.start()
    cb2.start()

    cx.wait()
    cw1.wait()
    h = jax.lax.dot_general(
        x_s[...], w1_s[...], (((1,), (1,)), ((), ())),
        preferred_element_type=jnp.float32)
    cb1.wait()
    h = jnp.maximum(h + b1_s[...], 0.0)
    cw2.wait()
    logits = jax.lax.dot_general(
        h, w2_s[...], (((1,), (1,)), ((), ())),
        preferred_element_type=jnp.float32)
    cb2.wait()
    logits = logits + b2_s[...]

    ids = jax.lax.broadcasted_iota(jnp.int32, (1, _E), 1)
    ninf = jnp.float32(-jnp.inf)
    v1 = jnp.max(logits, axis=1, keepdims=True)
    t1 = logits == v1
    i1 = jnp.min(jnp.where(t1, ids, _E), axis=1, keepdims=True)
    r2 = jnp.max(jnp.where(t1, ninf, logits), axis=1, keepdims=True)
    cnt = jnp.sum(t1.astype(jnp.float32), axis=1, keepdims=True)
    dup = cnt >= 2.0
    v2 = jnp.where(dup, v1, r2)
    i2a = jnp.min(jnp.where(t1 & (ids > i1), ids, _E), axis=1, keepdims=True)
    i2b = jnp.min(jnp.where(logits == r2, ids, _E), axis=1, keepdims=True)
    i2 = jnp.where(dup, i2a, i2b)

    e2 = jnp.exp(v2 - v1)
    denom = 1.0 + e2
    out_ref[...] = jnp.where(
        ids == i1, 1.0 / denom, jnp.where(ids == i2, e2 / denom, 0.0))


def kernel(x, W1, b1, W2, b2):
    out = pl.pallas_call(
        _router_body,
        grid=(1,),
        in_specs=[
            pl.BlockSpec(memory_space=pl.ANY),
            pl.BlockSpec(memory_space=pl.ANY),
            pl.BlockSpec(memory_space=pl.ANY),
            pl.BlockSpec(memory_space=pl.ANY),
            pl.BlockSpec(memory_space=pl.ANY),
        ],
        out_specs=pl.BlockSpec((1, _E), lambda i: (0, 0)),
        out_shape=jax.ShapeDtypeStruct((1, _E), jnp.float32),
        scratch_shapes=[
            pltpu.VMEM((1, _H), jnp.float32),
            pltpu.VMEM((_H, _H), jnp.float32),
            pltpu.VMEM((1, _H), jnp.float32),
            pltpu.VMEM((_E, _H), jnp.float32),
            pltpu.VMEM((1, _E), jnp.float32),
            pltpu.SemaphoreType.DMA,
            pltpu.SemaphoreType.DMA,
            pltpu.SemaphoreType.DMA,
            pltpu.SemaphoreType.DMA,
            pltpu.SemaphoreType.DMA,
        ],
    )(x.reshape(32768, _H), W1, b1.reshape(1, _H), W2, b2.reshape(1, _E))
    return out.reshape(_E)

# --- scband reference (transcript-rebuilt; emitter-appended) ---
"""Pipeline reference for scband-global-router-57483842289992 (READ-ONLY COPY).

The authoritative reference and input builder live on the scoring server;
editing this copy changes nothing except your own understanding.
"""

import jax, jax.numpy as jnp
import numpy as np

B, S, H, E = 32768, 1, 768, 64
TOP_K = 2
TEMPERATURE = 1.0


def setup_inputs(seed: int = 0) -> dict:
    key = jax.random.key(seed)
    ks = jax.random.split(key, 5)
    x = jax.random.normal(ks[0], (B, S, H), dtype=jnp.float32)
    W1 = jax.random.normal(ks[1], (H, H), dtype=jnp.float32) * (1.0 / np.sqrt(H))
    b1 = jnp.zeros((H,), dtype=jnp.float32)
    W2 = jax.random.normal(ks[2], (E, H), dtype=jnp.float32) * (1.0 / np.sqrt(H))
    b2 = jnp.zeros((E,), dtype=jnp.float32)
    return {"x": x, "W1": W1, "b1": b1, "W2": W2, "b2": b2}


def reference(x, W1, b1, W2, b2):
    # pooled = x[:, 0]
    pooled = x[:, 0]
    # router: Linear(H,H) -> ReLU -> Linear(H,E); torch Linear is x @ W.T + b
    h = jax.nn.relu(pooled @ W1.T + b1)
    logits = h @ W2.T + b2
    scaled_logits = logits / TEMPERATURE
    # per-row top-k mask: all -inf except top-k positions which hold their values
    vals, idx = jax.lax.top_k(scaled_logits, TOP_K)
    mask = jnp.full_like(scaled_logits, -jnp.inf)
    rows = jnp.arange(scaled_logits.shape[0])[:, None]
    mask = mask.at[rows, idx].set(vals)
    probs = jax.nn.softmax(mask, axis=-1)
    # eval mode, return_loss=False -> module returns cached_probs = probs[0]
    return probs[0]

if __name__ == "__main__":
    import jax
    _d = setup_inputs()
    print(jax.jit(kernel)(*tuple(_d.values())))

</pallas_src>

<mosaic_0001>
module attributes {stable_mosaic.version = 14 : i64} {
  func.func @_router_body(%arg0: i32, %arg1: memref<32768x768xf32, #tpu.memory_space<any>>, %arg2: memref<768x768xf32, #tpu.memory_space<any>>, %arg3: memref<1x768xf32, #tpu.memory_space<any>>, %arg4: memref<64x768xf32, #tpu.memory_space<any>>, %arg5: memref<1x64xf32, #tpu.memory_space<any>>, %arg6: memref<1x64xf32, #tpu.memory_space<vmem>>, %arg7: memref<1x768xf32, #tpu.memory_space<vmem>>, %arg8: memref<768x768xf32, #tpu.memory_space<vmem>>, %arg9: memref<1x768xf32, #tpu.memory_space<vmem>>, %arg10: memref<64x768xf32, #tpu.memory_space<vmem>>, %arg11: memref<1x64xf32, #tpu.memory_space<vmem>>, %arg12: memref<!tpu.dma_semaphore, #tpu.memory_space<semaphore_mem>>, %arg13: memref<!tpu.dma_semaphore, #tpu.memory_space<semaphore_mem>>, %arg14: memref<!tpu.dma_semaphore, #tpu.memory_space<semaphore_mem>>, %arg15: memref<!tpu.dma_semaphore, #tpu.memory_space<semaphore_mem>>, %arg16: memref<!tpu.dma_semaphore, #tpu.memory_space<semaphore_mem>>) attributes {dimension_semantics = [#tpu.dimension_semantics<arbitrary>], iteration_bounds = array<i64: 1>, scalar_prefetch = 0 : i64, scratch_operands = 10 : i64, tpu.core_type = #tpu.core_type<tc>, window_params = [{}, {}, {}, {}, {}, {pipeline_mode = #tpu.pipeline_mode<synchronous>, transform_indices = @transform_5, window_bounds = array<i64: 1, 64>}]} {
    %dma_start3A = arith.constant 0 : i32
    %dma_start3A_0 = arith.constant 0 : i32
    %dma_start3A_1 = tpu.memref_slice %arg1[%dma_start3A, %dma_start3A_0] : memref<32768x768xf32, #tpu.memory_space<any>> -> memref<1x768xf32, #tpu.memory_space<any>>
    tpu.enqueue_dma source(%dma_start3A_1 : memref<1x768xf32, #tpu.memory_space<any>>) target(%arg7 : memref<1x768xf32, #tpu.memory_space<vmem>>) target_semaphore(%arg12 : memref<!tpu.dma_semaphore, #tpu.memory_space<semaphore_mem>>)
    tpu.enqueue_dma source(%arg2 : memref<768x768xf32, #tpu.memory_space<any>>) target(%arg8 : memref<768x768xf32, #tpu.memory_space<vmem>>) target_semaphore(%arg13 : memref<!tpu.dma_semaphore, #tpu.memory_space<semaphore_mem>>)
    tpu.enqueue_dma source(%arg3 : memref<1x768xf32, #tpu.memory_space<any>>) target(%arg9 : memref<1x768xf32, #tpu.memory_space<vmem>>) target_semaphore(%arg14 : memref<!tpu.dma_semaphore, #tpu.memory_space<semaphore_mem>>)
    tpu.enqueue_dma source(%arg4 : memref<64x768xf32, #tpu.memory_space<any>>) target(%arg10 : memref<64x768xf32, #tpu.memory_space<vmem>>) target_semaphore(%arg15 : memref<!tpu.dma_semaphore, #tpu.memory_space<semaphore_mem>>)
    tpu.enqueue_dma source(%arg5 : memref<1x64xf32, #tpu.memory_space<any>>) target(%arg11 : memref<1x64xf32, #tpu.memory_space<vmem>>) target_semaphore(%arg16 : memref<!tpu.dma_semaphore, #tpu.memory_space<semaphore_mem>>)
    %dma_wait3A = arith.constant 0 : i32
    %dma_wait3A_2 = arith.constant 0 : i32
    %dma_wait3A_3 = tpu.memref_slice %arg1[%dma_wait3A, %dma_wait3A_2] : memref<32768x768xf32, #tpu.memory_space<any>> -> memref<1x768xf32, #tpu.memory_space<any>>
    tpu.wait_dma2 semaphore(%arg12 : memref<!tpu.dma_semaphore, #tpu.memory_space<semaphore_mem>>) src(%dma_wait3A_3 : memref<1x768xf32, #tpu.memory_space<any>>) dst(%arg7 : memref<1x768xf32, #tpu.memory_space<vmem>>)
    tpu.wait_dma2 semaphore(%arg13 : memref<!tpu.dma_semaphore, #tpu.memory_space<semaphore_mem>>) src(%arg2 : memref<768x768xf32, #tpu.memory_space<any>>) dst(%arg8 : memref<768x768xf32, #tpu.memory_space<vmem>>)
    %get3A = arith.constant 0 : index
    %get3A_4 = arith.constant 0 : index
    %get3A_5 = vector.load %arg7[%get3A, %get3A_4] : memref<1x768xf32, #tpu.memory_space<vmem>>, vector<1x768xf32>
    %get3A_6 = arith.constant 0 : index
    %get3A_7 = arith.constant 0 : index
    %get3A_8 = vector.load %arg8[%get3A_6, %get3A_7] : memref<768x768xf32, #tpu.memory_space<vmem>>, vector<768x768xf32>
    %dot_general3A = arith.constant dense<0.000000e+00> : vector<1x768xf32>
    %dot_general3A_9 = tpu.matmul %get3A_5, %get3A_8, %dot_general3A {dimension_numbers = #tpu.dot_dimension_numbers<[1], [1], [0], [0], [0, 0, 1, 0], [], []>, transpose_lhs_hint = false} : vector<1x768xf32>, vector<768x768xf32>, vector<1x768xf32> -> vector<1x768xf32>
    tpu.wait_dma2 semaphore(%arg14 : memref<!tpu.dma_semaphore, #tpu.memory_space<semaphore_mem>>) src(%arg3 : memref<1x768xf32, #tpu.memory_space<any>>) dst(%arg9 : memref<1x768xf32, #tpu.memory_space<vmem>>)
    %get3A_10 = arith.constant 0 : index
    %get3A_11 = arith.constant 0 : index
    %get3A_12 = vector.load %arg9[%get3A_10, %get3A_11] : memref<1x768xf32, #tpu.memory_space<vmem>>, vector<1x768xf32>
    %add3A = arith.addf %dot_general3A_9, %get3A_12 : vector<1x768xf32>
    %max3A = arith.constant 0.000000e+00 : f32
    %max3A_13 = vector.broadcast %max3A : f32 to vector<1x768xf32>
    %max3A_14 = arith.maximumf %add3A, %max3A_13 : vector<1x768xf32>
    tpu.wait_dma2 semaphore(%arg15 : memref<!tpu.dma_semaphore, #tpu.memory_space<semaphore_mem>>) src(%arg4 : memref<64x768xf32, #tpu.memory_space<any>>) dst(%arg10 : memref<64x768xf32, #tpu.memory_space<vmem>>)
    %get3A_15 = arith.constant 0 : index
    %get3A_16 = arith.constant 0 : index
    %get3A_17 = vector.load %arg10[%get3A_15, %get3A_16] : memref<64x768xf32, #tpu.memory_space<vmem>>, vector<64x768xf32>
    %dot_general3A_18 = arith.constant dense<0.000000e+00> : vector<1x64xf32>
    %dot_general3A_19 = tpu.matmul %max3A_14, %get3A_17, %dot_general3A_18 {dimension_numbers = #tpu.dot_dimension_numbers<[1], [1], [0], [0], [0, 0, 1, 0], [], []>, transpose_lhs_hint = false} : vector<1x768xf32>, vector<64x768xf32>, vector<1x64xf32> -> vector<1x64xf32>
    tpu.wait_dma2 semaphore(%arg16 : memref<!tpu.dma_semaphore, #tpu.memory_space<semaphore_mem>>) src(%arg5 : memref<1x64xf32, #tpu.memory_space<any>>) dst(%arg11 : memref<1x64xf32, #tpu.memory_space<vmem>>)
    %get3A_20 = arith.constant 0 : index
    %get3A_21 = arith.constant 0 : index
    %get3A_22 = vector.load %arg11[%get3A_20, %get3A_21] : memref<1x64xf32, #tpu.memory_space<vmem>>, vector<1x64xf32>
    %add3A_23 = arith.addf %dot_general3A_19, %get3A_22 : vector<1x64xf32>
    %iota3A = tpu.iota {dimensions = array<i32: 1>} : vector<1x64xi32>
    %reduce_max3A = arith.constant dense<0xFF800000> : vector<1xf32>
    %reduce_max3A_24 = vector.multi_reduction <maximumf>, %add3A_23, %reduce_max3A [1] : vector<1x64xf32> to vector<1xf32>
    %broadcast_in_dim3A = vector.shape_cast %reduce_max3A_24 : vector<1xf32> to vector<1x1xf32>
    %eq3A = vector.broadcast %broadcast_in_dim3A : vector<1x1xf32> to vector<1x64xf32>
    %eq3A_25 = arith.cmpf oeq, %add3A_23, %eq3A : vector<1x64xf32>
    %jit3A = arith.constant 64 : i32
    %broadcast_in_dim3A_26 = vector.broadcast %jit3A : i32 to vector<1x64xi32>
    %select_n3A = arith.select %eq3A_25, %iota3A, %broadcast_in_dim3A_26 : vector<1x64xi1>, vector<1x64xi32>
    %reduce_min3A = arith.constant dense<2147483647> : vector<1xi32>
    %reduce_min3A_27 = vector.multi_reduction <minsi>, %select_n3A, %reduce_min3A [1] : vector<1x64xi32> to vector<1xi32>
    %broadcast_in_dim3A_28 = vector.shape_cast %reduce_min3A_27 : vector<1xi32> to vector<1x1xi32>
    %jit3A_29 = arith.constant 0xFF800000 : f32
    %broadcast_in_dim3A_30 = vector.broadcast %jit3A_29 : f32 to vector<1x64xf32>
    %select_n3A_31 = arith.select %eq3A_25, %broadcast_in_dim3A_30, %add3A_23 : vector<1x64xi1>, vector<1x64xf32>
    %reduce_max3A_32 = arith.constant dense<0xFF800000> : vector<1xf32>
    %reduce_max3A_33 = vector.multi_reduction <maximumf>, %select_n3A_31, %reduce_max3A_32 [1] : vector<1x64xf32> to vector<1xf32>
    %broadcast_in_dim3A_34 = vector.shape_cast %reduce_max3A_33 : vector<1xf32> to vector<1x1xf32>
    %convert_element_type3A = arith.extui %eq3A_25 : vector<1x64xi1> to vector<1x64xi32>
    %convert_element_type3A_35 = arith.sitofp %convert_element_type3A : vector<1x64xi32> to vector<1x64xf32>
    %reduce_sum3A = arith.constant dense<0.000000e+00> : vector<1xf32>
    %reduce_sum3A_36 = vector.multi_reduction <add>, %convert_element_type3A_35, %reduce_sum3A [1] : vector<1x64xf32> to vector<1xf32>
    %broadcast_in_dim3A_37 = vector.shape_cast %reduce_sum3A_36 : vector<1xf32> to vector<1x1xf32>
    %ge3A = arith.constant 2.000000e+00 : f32
    %ge3A_38 = vector.broadcast %ge3A : f32 to vector<1x1xf32>
    %ge3A_39 = arith.cmpf oge, %broadcast_in_dim3A_37, %ge3A_38 : vector<1x1xf32>
    %select_n3A_40 = arith.select %ge3A_39, %broadcast_in_dim3A, %broadcast_in_dim3A_34 : vector<1x1xi1>, vector<1x1xf32>
    %gt3A = vector.broadcast %broadcast_in_dim3A_28 : vector<1x1xi32> to vector<1x64xi32>
    %gt3A_41 = arith.cmpi sgt, %iota3A, %gt3A : vector<1x64xi32>
    %and3A = arith.andi %eq3A_25, %gt3A_41 : vector<1x64xi1>
    %jit3A_42 = arith.constant 64 : i32
    %broadcast_in_dim3A_43 = vector.broadcast %jit3A_42 : i32 to vector<1x64xi32>
    %select_n3A_44 = arith.select %and3A, %iota3A, %broadcast_in_dim3A_43 : vector<1x64xi1>, vector<1x64xi32>
    %reduce_min3A_45 = arith.constant dense<2147483647> : vector<1xi32>
    %reduce_min3A_46 = vector.multi_reduction <minsi>, %select_n3A_44, %reduce_min3A_45 [1] : vector<1x64xi32> to vector<1xi32>
    %broadcast_in_dim3A_47 = vector.shape_cast %reduce_min3A_46 : vector<1xi32> to vector<1x1xi32>
    %eq3A_48 = vector.broadcast %broadcast_in_dim3A_34 : vector<1x1xf32> to vector<1x64xf32>
    %eq3A_49 = arith.cmpf oeq, %add3A_23, %eq3A_48 : vector<1x64xf32>
    %jit3A_50 = arith.constant 64 : i32
    %broadcast_in_dim3A_51 = vector.broadcast %jit3A_50 : i32 to vector<1x64xi32>
    %select_n3A_52 = arith.select %eq3A_49, %iota3A, %broadcast_in_dim3A_51 : vector<1x64xi1>, vector<1x64xi32>
    %reduce_min3A_53 = arith.constant dense<2147483647> : vector<1xi32>
    %reduce_min3A_54 = vector.multi_reduction <minsi>, %select_n3A_52, %reduce_min3A_53 [1] : vector<1x64xi32> to vector<1xi32>
    %broadcast_in_dim3A_55 = vector.shape_cast %reduce_min3A_54 : vector<1xi32> to vector<1x1xi32>
    %select_n3A_56 = arith.select %ge3A_39, %broadcast_in_dim3A_47, %broadcast_in_dim3A_55 : vector<1x1xi1>, vector<1x1xi32>
    %sub3A = arith.subf %select_n3A_40, %broadcast_in_dim3A : vector<1x1xf32>
    %exp3A = math.exp %sub3A : vector<1x1xf32>
    %add3A_57 = arith.constant 1.000000e+00 : f32
    %add3A_58 = vector.broadcast %add3A_57 : f32 to vector<1x1xf32>
    %add3A_59 = arith.addf %add3A_58, %exp3A : vector<1x1xf32>
    %eq3A_60 = vector.broadcast %broadcast_in_dim3A_28 : vector<1x1xi32> to vector<1x64xi32>
    %eq3A_61 = arith.cmpi eq, %iota3A, %eq3A_60 : vector<1x64xi32>
    %div3A = arith.constant 1.000000e+00 : f32
    %div3A_62 = vector.broadcast %div3A : f32 to vector<1x1xf32>
    %div3A_63 = arith.divf %div3A_62, %add3A_59 : vector<1x1xf32>
    %eq3A_64 = vector.broadcast %select_n3A_56 : vector<1x1xi32> to vector<1x64xi32>
    %eq3A_65 = arith.cmpi eq, %iota3A, %eq3A_64 : vector<1x64xi32>
    %div3A_66 = arith.divf %exp3A, %add3A_59 : vector<1x1xf32>
    %jit3A_67 = arith.constant 0.000000e+00 : f32
    %broadcast_in_dim3A_68 = vector.shape_cast %div3A_66 : vector<1x1xf32> to vector<1x1xf32>
    %broadcast_in_dim3A_69 = vector.broadcast %broadcast_in_dim3A_68 : vector<1x1xf32> to vector<1x64xf32>
    %broadcast_in_dim3A_70 = vector.broadcast %jit3A_67 : f32 to vector<1x64xf32>
    %select_n3A_71 = arith.select %eq3A_65, %broadcast_in_dim3A_69, %broadcast_in_dim3A_70 : vector<1x64xi1>, vector<1x64xf32>
    %broadcast_in_dim3A_72 = vector.shape_cast %div3A_63 : vector<1x1xf32> to vector<1x1xf32>
    %broadcast_in_dim3A_73 = vector.broadcast %broadcast_in_dim3A_72 : vector<1x1xf32> to vector<1x64xf32>
    %select_n3A_74 = arith.select %eq3A_61, %broadcast_in_dim3A_73, %select_n3A_71 : vector<1x64xi1>, vector<1x64xf32>
    %swap3A = arith.constant 0 : index
    %swap3A_75 = arith.constant 0 : index
    %swap3A_76 = vector.load %arg6[%swap3A, %swap3A_75] : memref<1x64xf32, #tpu.memory_space<vmem>>, vector<1x64xf32>
    tpu.vector_store %arg6[%swap3A, %swap3A_75], %select_n3A_74 {strides = array<i32>} : memref<1x64xf32, #tpu.memory_space<vmem>>, vector<1x64xf32>,
    return
  }
  func.func @transform_5(%arg0: i32) -> (i32, i32) {
    %c0_i32 = arith.constant 0 : i32
    %c0_i32_0 = arith.constant 0 : i32
    %c0_i32_1 = arith.constant 0 : i32
    return %c0_i32, %c0_i32_0 : i32, i32
  }
}

</mosaic_0001>

<sc_bundles>
// kernel: sparse-core-data-format-call.cloned.1.call-start
scs
called_computation_lowered:
.L_overlay_start_0:
0x0: {  	s2 =	sld [smem:$0x3FD9]  }
0x1: {  	s3 =	sld [smem:$0x3FFE];
	_ =	sdelay $0x1  }
0x2: {  	s1 =	srdreg.scid  }
0x3: {  	s0 =	sand.u32 $0x1, s1  }
0x4: {  	s18 =	sshll.u32 s0, $0xA;
	s2 =	sadd.s32 s3, s2  }
0x5: {  	s2 =	sadd.s32 s2, s18  }
0x6: {  	[smem:$0x3FC3] =	sst s2  }
0x7: {  	_ = 	snop  }
0x8: {  	s2 =	sld [smem:$0x3FC9];
	(tm) =	ssettm $0x1  }
0x9: {  	s19 =	sld [smem:$0x3FFB];
	_ =	sdelay $0x3  }
0xa: {  	_ =	strace s19  }
0xb: {  	s3 =	sld [smem:$0x3FFC];
	_ =	sdelay $0x3  }
0xc: {  	_ =	strace s3  }
0xd: {  	s3 =	sld [smem:$0x3FFD];
	_ =	sdelay $0x3  }
0xe: {  	_ =	strace s3  }
0xf: {  	_ =	strace $0x8FFFFFFF  }
0x10: {  	s20 =	sld [smem:$0x3FDB];
	_ =	sdelay $0x1  }
0x11: {  	s4 =	simm.s32 $_scs_section_size  }
0x12: {  	s5 =	simm.s32 $_size__tile_overlayer_lowered;
	s6 =	simm.s32 $_tile_overlayer_lowered  }
0x13: {  	s23 =	simm.s32 $0x1BFF;
	s22 =	sshll.u32 s6, $0x1;
	s3 =	sadd.s32 s4, s20  }
0x14: {  	s7 =	simm.s32 $0x0;
	s21 =	sshll.u32 s5, $0x1;
	s5 =	sadd.s32 s22, s3  }
0x15: {  	[timem:s7], [sflag:s23] =	dma.local [hbm:s5], s21  }
0x16: {  	_ =	swait.ge [sflag:s23], s21  }
0x17: {  	s4 =	ssub.s32 $0x0, s21;
	[sflag:s23] =	ssyncset.done $0x0  }
0x18: {  	[sflag:s23] =	ssyncadd.s32 s4;
	_ =	sdelay $0x1  }
0x19: {  	s24 =	simm.s32 $0x1B8B  }
0x1a: {  	_ =	swait.ge [sflag:s24], $0x1  }
0x1b: {  	[sflag:s24] =	ssyncset.done $0x0  }
0x1c: {  	s26 =	simm.s32 $0x1B8E;
	s25 =	sld [smem:$0x3FFE];
	[sflag:s24] =	ssyncadd.s32 $0xFFFFFFFF  }
0x1d: {  	s27 =	simm.s32 $execute0_lowered;
	[smem:$0x3FD2] =	sst s26  }
0x1e: {  	s5 =	sshll.u32 s27, $0x1;
	_ =	strace $0x80000046;
	[dreg:$0x1] =	wrdreg $0xFFFFFFFF  }
0x1f: {  	s28 =	simm.s32 $_size_execute0_lowered;
	s3 =	sadd.s32 s3, s5;
	[dreg:$0x0] =	wrdreg $0x0  }
0x20: {  	s5 =	sshll.u32 s28, $0x1;
	[dreg:$0x2] =	wrdreg s3  }
0x21: {  	[dreg:$0x3] =	wrdreg s5  }
0x22: {  	[dreg:$0x4] =	wrdreg $0xC0  }
0x23: {  	_ =	task [dreg:s7], $0x5FFFF  }
0x24: {  	[dreg:$0x1] =	wrdreg $0xFFFFFFFF  }
0x25: {  	[dreg:$0x0] =	wrdreg $0x60  }
0x26: {  	[dreg:$0x2] =	wrdreg s2  }
0x27: {  	[dreg:$0x3] =	wrdreg s25  }
0x28: {  	[dreg:$0x4] =	wrdreg $0x9  }
0x29: {  	_ =	task.clear_ibuf [dreg:s7], $0x5FFFF;
	_ =	strace $0x90000046  }
0x2a: {  	s29 =	simm.s32 $0x9;
	_ =	strace $0x80000048  }
0x2b: {  	_ =	swait.ge [sflag:s29], $0x1  }
0x2c: {  	[sflag:s29] =	ssyncadd.s32 $0xFFFFFFFF  }
0x2d: {  	_ =	strace $0x90000048  }
0x2e: {  	_ =	sfence  }
0x2f: {  	s30 =	sld [smem:$0x0];
	_ =	sdelay $0x2  }
0x30: {  	s31 =	sshll.u32 s1, $0xD;
	s1 =	sshrl.u32 s1, $0x2  }
0x31: {  	s3 =	sand.u32 $0x4000, s31;
	s1 =	sadd.s32 s1, s30  }
0x32: {  	s0 =	sor.u32 s3, s0;
	s1 =	sshll.u32 s1, $0x11  }
0x33: {  	s0 =	sor.u32 s1, s0  }
0x34: {  	s0 =	sadd.s32 $0x8F2B, s0  }
0x35: {  	[sflag:s0] =	ssyncadd.remote.s32 $0x1  }
0x36: {  	_ =	sfence.sel $0xFFFF  }
0x37: {  	[dreg:$0x0] =	wrdreg $0xFFFFFFFF;
	(pc) =	sbr.abs _section_cstart, $3  }
0x38: {  	[dreg:$0x1] =	wrdreg $0xFFFFFFFF  }
0x39: {  	_ =	task.clear_ibuf [dreg:s7], $0x2FFFF;
	_ =	strace $0x9FFFFFFF  }
0x3a: {  	(tm) =	ssettm $0x7FFFFFFF  }
0x3b: {  	_ =	shalt  }
tec
execute0_lowered:
.L_overlay_start_1:
0x0: {  	(tag) =	ssettag $0x1  }
0x1: {  	s0 =	srdreg.scid  }
0x2: {  	s1 =	sshll.u32 s0, $0x4  }
0x3: {  	s0 =	stileid.u32;
	s1 =	sand.u32 $0x10, s1  }
0x4: {  	s3 =	rddreg [dreg:$0x0];
	s1 =	sor.u32 s0, s1  }
0x5: {  	s6 =	rddreg [dreg:$0x1];
	s2 =	sshll.u32 s1, $0x6  }
0x6: {  	s7 =	simm.s32 $0x2;
	s13 =	simm.s32 $0x0;
	s1 =	ssub.s32 $0x8000, s2  }
0x7: {  	s8 =	simm.s32 $0x1800;
	s9 =	simm.s32 $0x0;
	s4 =	sand.u32 $0x7C0, s1  }
0x8: {  	s14 =	simm.s32 $0x0;
	p0 =	sne.s32 s4, $0x0;
	s4 =	simm.s32 $0x1  }
.Ltmp0:
0x9: {  	s5 =	sshrl.u32 s1, $0xB;
	s4 =	simm.s32 @!p0 $0x0;
	(pc) =	sbr.rel .LBB1_1-.Ltmp0, $4  }
0xa: {  	s10 =	simm.s32 $0x0;
	s1 =	rddreg [dreg:$0x2];
	s5 =	sadd.s32 s4, s5  }
0xb: {  	_ =	strace $0x80000047;
	s4 =	simm.s32 $0x1;
	s5 =	smul.u32 $0x3, s5  }
0xc: {  	s12 =	simm.s32 $0x0;
	s6 =	sadd.s32 $0xC00, s6;
	[sflag:s4] =	ssyncpa.u1 $0x0  }
0xd: {  	s11 =	smov.u32 s2;
	[sflag:s7] =	ssyncpa.u1 $0x0;
	s7 =	sadd.s32 $0x1, s5  }
.LBB1_4:
0xe: {  	_ =	sdelay $0x3  }
0xf: {  	[tilespmem:v0+s17+$0x420 ss:$0x1] =	vst.idx.msk $0xffff, v4  }
0x10: {  	[tilespmem:v0+s17+$0x430 ss:$0x1] =	vst.idx.msk $0xffff, v7  }
0x11: {  	[tilespmem:v0+s17+$0x440 ss:$0x1] =	vst.idx.msk $0xffff, v3;
	v57 =	vld [tilespmem:s16+$0x10]  }
0x12: {  	s18 =	sadd.s32 $0x80, s18;
	[tilespmem:s19+$0x0] =	vst v5;
	v58 =	vld [tilespmem:s16+$0x20]  }
0x13: {  	s20 =	sand.u32 $0x3800, s21;
	[tilespmem:v0+s17+$0x450 ss:$0x1] =	vst.idx.msk $0xffff, v2;
	v59 =	vld [tilespmem:s16+$0x30];
	s24 =	sand.u32 $0x380, s18  }
0x14: {  	[tilespmem:v0+s17+$0x460 ss:$0x1] =	vst.idx.msk $0xffff, v1;
	v60 =	vld [tilespmem:s16+$0x40];
	s20 =	sor.u32 s24, s20  }
0x15: {  	v62 =	vld [tilespmem:s16+$0x50];
	[tilespmem:v0+s20+$0x470 ss:$0x1] =	vst.idx.msk $0xffff, v6  }
0x16: {  	s26 =	sshrl.u32 s14, $0x3;
	s27 =	sshll.u32 s13, $0x3;
	v63 =	vld [tilespmem:s16+$0x60];
	s25 =	sand.u32 $0x3B00, s20;
	[tilespmem:v0+s20+$0x410 ss:$0x1] =	vst.idx.msk $0xffff, v57  }
0x17: {  	v49 =	vld [tilespmem:s16+$0xFFFFFF90];
	s18 =	sand.u32 $0x80, s18;
	s17 =	smul.u32 $0x1800, s26;
	s19 =	sadd.s32 s25, s15;
	[tilespmem:v0+s20+$0x420 ss:$0x1] =	vst.idx.msk $0xffff, v58  }
0x18: {  	v50 =	vld [tilespmem:s16+$0xFFFFFFA0];
	s28 =	sshll.u32 s14, $0x7;
	s18 =	sadd.s32 s18, s19;
	s19 =	sand.u32 $0xFFFFFC00, s27;
	[tilespmem:v0+s20+$0x430 ss:$0x1] =	vst.idx.msk $0xffff, v59  }
0x19: {  	v51 =	vld [tilespmem:s16+$0xFFFFFFB0];
	s14 =	sand.u32 $0x380, s28;
	[tilespmem:v0+s20+$0x440 ss:$0x1] =	vst.idx.msk $0xffff, v60;
	s17 =	sadd.s32 s17, s19  }
0x1a: {  	v52 =	vld [tilespmem:s16+$0xFFFFFFC0];
	s29 =	sand.u32 $0x7F, s13;
	[tilespmem:v0+s20+$0x450 ss:$0x1] =	vst.idx.msk $0xffff, v62;
	s14 =	sor.u32 s14, s17  }
0x1b: {  	v53 =	vld [tilespmem:s16+$0xFFFFFFD0];
	[tilespmem:v0+s20+$0x460 ss:$0x1] =	vst.idx.msk $0xffff, v63;
	s13 =	sor.u32 s29, s14  }
0x1c: {  	v54 =	vld [tilespmem:s16+$0xFFFFFFE0];
	[tilespmem:s18+$0x10] =	vst v49;
	s30 =	smulhi.u32 $0xAAAAAAAB, s13  }
0x1d: {  	v55 =	vld [tilespmem:s16+$0xFFFFFFF0];
	[tilespmem:s18+$0x20] =	vst v50  }
0x1e: {  	v56 =	vld [tilespmem:s16+$0x0];
	[tilespmem:s18+$0x30] =	vst v51;
	s14 =	smulhi.u32 $0xAAAAAAAB, s14;
	s17 =	sshrl.u32 s30, $0x9  }
0x1f: {  	v61 =	vld [tilespmem:s16+$0xFFFFFF80];
	[tilespmem:s18+$0x40] =	vst v52;
	s31 =	smul.u32 $0x300, s17  }
0x20: {  	[tilespmem:s18+$0x50] =	vst v53;
	s14 =	sshrl.u32 s14, $0x9  }
0x21: {  	[tilespmem:s18+$0x60] =	vst v54;
	s14 =	sand.u32 $0x7FFF, s14;
	s13 =	ssub.s32 s13, s31  }
0x22: {  	[tilespmem:s18+$0x70] =	vst v55;
	s14 =	smul.u32 $0x60, s14;
	s16 =	sshrl.u32 s13, $0x3;
	s13 =	sand.u32 $0x7, s13  }
0x23: {  	[tilespmem:s18+$0x400] =	vst v56;
	s16 =	sadd.s32 s6, s16;
	s13 =	sshll.u32 s13, $0x12  }
0x24: {  	[tilespmem:s18+$0x0] =	vst v61;
	s14 =	sadd.s32 s14, s16;
	s13 =	sor.u32 $0x800, s13  }
0x25: {  	[hbm4b:s14+s13] =	stream.strided.scatter [tilespmem:s15], [sflag:$0x2], $0x4000, s8, s13, $0x38;
	[tilespmem:$0x10000] =	vst v63  }
.LBB1_5:
0x26: {  	s15 =	sadd.s32 $0x100, s10  }
0x27: {  	s13 =	sadd.s32 $0x800, s11;
	s17 =	smov.u32 s11;
	p1 =	sgt.s32 s15, $0x2FF  }
0x28: {  	s17 =	smov.u32 @p1 s13  }
0x29: {  	s15 =	simm.s32 @p1 $0x0;
	p1 =	sgt.s32 s17, $0x7FFF  }
0x2a: {  	s17 =	smov.u32 @p1 s2;
	p1 =	sne.s32 s12, s7  }
.Ltmp1:
0x2b: {  	p0 =	slt.u32 s12, $0x2;
	(pc) =	sbr.rel @!p1 .LBB1_6-.Ltmp1, $4  }
0x2c: {  	s16 =	simm.s32 @!p0 $0x2  }
0x2d: {  	s14 =	smov.u32 s11;
	s9 =	sadd.s32 $0x4000, s9;
	_ =	swait.ge @!p0 [sflag:s16], $0x4000  }
0x2e: {  	s13 =	smov.u32 s10;
	[sflag:s16] =	ssyncset.done @!p0 $0x0;
	s10 =	smov.u32 s15  }
0x2f: {  	s12 =	sadd.s32 $0x1, s12;
	[sflag:s16] =	ssyncadd.s32 @!p0 $0xFFFFC000;
	s11 =	smov.u32 s17  }
.LBB1_1:
0x30: {  	p0 =	sge.u32 s12, s5  }
0x31: {  	s15 =	smulhi.u32 @!p0 $0xAAAAAAAB, s10;
	_ =	sdelay $0x1  }
0x32: {  	s15 =	sshrl.u32 @!p0 s15, $0x9  }
0x33: {  	s15 =	smul.u32 @!p0 $0x300, s15  }
0x34: {  	s16 =	sxor.u32 @!p0 $0xFFFFFFFF, s12  }
0x35: {  	s17 =	smul.u32 @!p0 $0x60, s11;
	s16 =	sshll.u32 @!p0 s16, $0xE;
	s15 =	ssub.s32 @!p0 s10, s15  }
0x36: {  	s31 =	sadd.s32 $0xFFFFFFFF, s12;
	s16 =	sand.u32 @!p0 $0x4000, s16;
	s18 =	sand.u32 @!p0 $0x7, s15  }
0x37: {  	s17 =	sadd.s32 @!p0 s3, s17;
	s15 =	sshrl.u32 @!p0 s15, $0x3;
	s18 =	sshll.u32 @!p0 s18, $0x12  }
0x38: {  	s15 =	sadd.s32 @!p0 s15, s17;
	s17 =	sor.u32 @!p0 $0x100, s18;
	s18 =	simm.s32 @!p0 $0x300  }
0x39: {  	[tilespmem:s16], [sflag:$0x1] =	stream.strided.gather @!p0 [hbm4b:s15+s17], $0x4000, s18, s17, $0x38;
	[tilespmem:$0x10000] =	vst v63  }
0x3a: {  	p0 =	sge.u32 s31, s5  }
.Ltmp2:
0x3b: {  	_ = 	snop;
	(pc) =	sbr.rel @p0 .LBB1_5-.Ltmp2, $1  }
0x3c: {  	_ =	sdelay $0x3  }
0x3d: {  	_ =	swait.ge [sflag:s4], $0x4000  }
0x3e: {  	s15 =	sand.u32 $0x4000, s9;
	[sflag:s4] =	ssyncset.done $0x0  }
0x3f: {  	s31 =	sshll.u32 s12, $0xE;
	s16 =	sor.u32 $0x80, s15;
	[sflag:s4] =	ssyncadd.s32 $0xFFFFC000  }
0x40: {  	s15 =	sand.u32 $0x4000, s31;
	v1 =	vld [tilespmem:s16+$0x70]  }
0x41: {  	s15 =	sor.u32 $0x8000, s15;
	v2 =	vld [tilespmem:s16+$0xFFFFFF90]  }
0x42: {  	s18 =	simm.s32 $0x0;
	v0 =	vmov s15;
	v3 =	vld [tilespmem:s16+$0xFFFFFFA0]  }
0x43: {  	s17 =	sand.u32 $0x3800, s18;
	s19 =	sand.u32 $0x380, s18;
	v4 =	vld [tilespmem:s16+$0xFFFFFFB0]  }
0x44: {  	s17 =	sor.u32 s19, s17;
	v5 =	vld [tilespmem:s16+$0xFFFFFFC0]  }
0x45: {  	s19 =	sand.u32 $0x3B00, s17;
	v6 =	vld [tilespmem:s16+$0xFFFFFFD0]  }
0x46: {  	s20 =	sand.u32 $0x80, s18;
	v8 =	vld [tilespmem:s16+$0xFFFFFFE0];
	s19 =	sadd.s32 s19, s15  }
0x47: {  	v9 =	vld [tilespmem:s16+$0x0];
	s19 =	sadd.s32 s20, s19;
	[tilespmem:v0+s17+$0x470 ss:$0x1] =	vst.idx.msk $0xffff, v1  }
0x48: {  	v10 =	vld [tilespmem:s16+$0x10];
	[tilespmem:s19+$0x10] =	vst v2  }
0x49: {  	v7 =	vld [tilespmem:s16+$0x30];
	[tilespmem:s19+$0x20] =	vst v3  }
0x4a: {  	v1 =	vld [tilespmem:s16+$0xFFFFFFF0];
	[tilespmem:s19+$0x30] =	vst v4  }
0x4b: {  	v4 =	vld [tilespmem:s16+$0x20];
	[tilespmem:s19+$0x40] =	vst v5  }
0x4c: {  	[tilespmem:s19+$0x50] =	vst v6;
	v3 =	vld [tilespmem:s16+$0x40]  }
0x4d: {  	[tilespmem:s19+$0x60] =	vst v8;
	v2 =	vld [tilespmem:s16+$0x50]  }
0x4e: {  	v5 =	vld [tilespmem:s16+$0xFFFFFF80];
	[tilespmem:s19+$0x400] =	vst v9  }
0x4f: {  	[tilespmem:s19+$0x70] =	vst v1;
	v1 =	vld [tilespmem:s16+$0x60];
	s16 =	sadd.s32 $0x100, s16  }
0x50: {  	s21 =	simm.s32 $0x100;
	s20 =	simm.s32 $0x200;
	[tilespmem:v0+s17+$0x410 ss:$0x1] =	vst.idx.msk $0xffff, v10;
	v6 =	vld [tilespmem:s16+$0x70]  }
.LBB1_3:
0x51: {  	p0 =	sne.s32 s20, $0x3F00;
	v8 =	vld [tilespmem:s16+$0xFFFFFF90];
	[tilespmem:v0+s17+$0x420 ss:$0x1] =	vst.idx.msk $0xffff, v4  }
0x52: {  	s18 =	sadd.s32 $0x80, s18;
	v4 =	vld [tilespmem:s16+$0xFFFFFFA0];
	[tilespmem:v0+s17+$0x430 ss:$0x1] =	vst.idx.msk $0xffff, v7  }
0x53: {  	s21 =	sand.u32 $0x3800, s21;
	s22 =	sand.u32 $0x380, s18;
	s23 =	sand.u32 $0x80, s18;
	v7 =	vld [tilespmem:s16+$0xFFFFFFB0];
	[tilespmem:v0+s17+$0x440 ss:$0x1] =	vst.idx.msk $0xffff, v3  }
0x54: {  	s22 =	sor.u32 s22, s21;
	s21 =	smov.u32 s20;
	v3 =	vld [tilespmem:s16+$0xFFFFFFC0];
	[tilespmem:s19+$0x0] =	vst v5  }
0x55: {  	s19 =	sand.u32 $0x3B00, s22;
	v5 =	vld [tilespmem:s16+$0xFFFFFFD0];
	[tilespmem:v0+s22+$0x470 ss:$0x1] =	vst.idx.msk $0xffff, v6  }
0x56: {  	s19 =	sadd.s32 s19, s15;
	v6 =	vld [tilespmem:s16+$0xFFFFFFE0];
	[tilespmem:v0+s17+$0x450 ss:$0x1] =	vst.idx.msk $0xffff, v2  }
0x57: {  	s19 =	sadd.s32 s23, s19;
	v9 =	vld [tilespmem:s16+$0xFFFFFFF0];
	[tilespmem:v0+s17+$0x460 ss:$0x1] =	vst.idx.msk $0xffff, v1;
	s17 =	smov.u32 s22  }
0x58: {  	[tilespmem:s19+$0x10] =	vst v8;
	v8 =	vld [tilespmem:s16+$0x0]  }
0x59: {  	[tilespmem:s19+$0x20] =	vst v4;
	v10 =	vld [tilespmem:s16+$0x10]  }
0x5a: {  	[tilespmem:s19+$0x30] =	vst v7;
	v4 =	vld [tilespmem:s16+$0x20]  }
0x5b: {  	[tilespmem:s19+$0x40] =	vst v3;
	v7 =	vld [tilespmem:s16+$0x30]  }
.Ltmp3:
0x5c: {  	[tilespmem:s19+$0x50] =	vst v5;
	v3 =	vld [tilespmem:s16+$0x40];
	(pc) =	sbr.rel @p0 .LBB1_3-.Ltmp3, $4  }
0x5d: {  	[tilespmem:s19+$0x60] =	vst v6;
	v2 =	vld [tilespmem:s16+$0x50]  }
0x5e: {  	[tilespmem:s19+$0x70] =	vst v9;
	v1 =	vld [tilespmem:s16+$0x60]  }
0x5f: {  	v5 =	vld [tilespmem:s16+$0xFFFFFF80];
	[tilespmem:s19+$0x400] =	vst v8;
	s16 =	sadd.s32 $0x100, s16  }
0x60: {  	s20 =	sadd.s32 $0x100, s20;
	v6 =	vld [tilespmem:s16+$0x70];
	[tilespmem:v0+s17+$0x410 ss:$0x1] =	vst.idx.msk $0xffff, v10  }
.Ltmp4:
0x61: {  	_ = 	snop;
	(pc) =	sbr.rel .LBB1_4-.Ltmp4, $1  }
0x62: {  	_ =	sdelay $0x3  }
.LBB1_6:
0x63: {  	_ =	sfence.sel $0x180000  }
0x64: {  	s2 =	simm.s32 $0x1;
	[bflag:$0x0] =	sbarrier.arrive $0xFFFF  }
0x65: {  	s31 =	simm.s32 $0x2;
	[sflag:s2] =	ssyncpa.u1 $0x1  }
0x66: {  	[sflag:s31] =	ssyncpa.u1 $0x1  }
0x67: {  	p0 =	sne.s32 s0, $0x0;
	_ =	strace $0x90000047  }
0x68: {  	s0 =	sadd.s32 @!p0 $0x100000, s1;
	[bflag:$0x2] =	sbarrier.arrive $0xFFFF  }
0x69: {  	[sflag:s0] =	ssyncadd.tile.s32 @!p0 $0x1;
	_ =	shalt  }
.Lfunc_end1:
_tile_overlayer_lowered:
.L_overlay_start_2:
0x6a: {  	(tag) =	ssettag $0x2  }
0x6b: {  	s0 =	rddreg [dreg:$0x0];
	s2 =	stileid.u32  }
0x6c: {  	s1 =	rddreg [dreg:$0x1];
	p0 =	sne.s32 s2, $0x0  }
0x6d: {  	s3 =	rddreg [dreg:$0x2];
	[bflag:$0x3] =	sbarrier.arrive $0xFFFF;
	s2 =	simm.s32 @!p0 $0x1C01  }
0x6e: {  	[timem:s3], [sflag:s2] =	dma.local @!p0 [hbm:s0], s1  }
0x6f: {  	s0 =	simm.s32 @!p0 $0x1  }
0x70: {  	_ =	swait.ge @!p0 [sflag:s0], s1  }
0x71: {  	s1 =	ssub.s32 @!p0 $0x0, s1;
	[sflag:s0] =	ssyncset.done @!p0 $0x0  }
0x72: {  	[sflag:s0] =	ssyncadd.s32 @!p0 s1  }
0x73: {  	[bflag:$0x3] =	sbarrier.arrive $0xFFFF  }
0x74: {  	_ =	shalt  }

</sc_bundles>
